<compile_context>
chip_gen: v7x
topology: tpu7x:2x2x1
jax: 0.10.2.dev20260603
libtpu: 0.0.44.dev20260713+nightly
codegen_flags: <defaults>
</compile_context>

<pallas_src>
import jax
import jax.numpy as jnp
from jax import lax
from jax.experimental import pallas as pl
from jax.experimental.pallas import tpu as pltpu
from jax.experimental.pallas import tpu_sc as plsc

_SCALE = 1.0
_MARGIN = 0.5
_W_EQ = 1.0
_W_INEQ = 1.0

_B, _C, _H, _W = 32, 2, 512, 512
_N = 2048
_LANES = 16
_NUM_CORES = 2


def _partials_body(pred_hbm, pk_h,
                   out_hbm, tgt_v, rows_v, acc_v, sem_t, sem_r):
    b = lax.axis_index("s") * _NUM_CORES + lax.axis_index("c")
    cp_t = pltpu.async_copy(pk_h.at[b], tgt_v, sem_t)
    cpr = [pltpu.async_copy(pred_hbm.at[b, c, h, :],
                            rows_v.at[pl.ds((c * 2 + h) * _W, _W)], sem_r)
           for c in range(_C) for h in range(2)]
    cp_t.wait()
    for cp in cpr:
        cp.wait()

    zeros = jnp.zeros((_LANES,), jnp.float32)

    def loss_body(o, carry):
        acc_iq, acc_eq, cnt_iq = carry
        p = tgt_v[pl.ds(o, _LANES)]
        aa = p & 0xFFF
        ab = (p >> 12) & 0xFFF
        lbl = p >> 24
        pa = plsc.load_gather(rows_v, [aa])
        pb = plsc.load_gather(rows_v, [ab])
        diff = pb - pa
        lbl_f = lbl.astype(jnp.float32)
        is_iq = lbl != 0
        m = jnp.maximum(_SCALE * _MARGIN - _SCALE * diff * lbl_f, 0.0)
        sq = (_SCALE * diff) * (_SCALE * diff)
        acc_iq = acc_iq + jnp.where(is_iq, m * m, 0.0)
        acc_eq = acc_eq + jnp.where(is_iq, 0.0, sq)
        cnt_iq = cnt_iq + jnp.where(is_iq, 1.0, 0.0)
        return acc_iq, acc_eq, cnt_iq

    acc_iq, acc_eq, cnt_iq = plsc.parallel_loop(
        0, _N, step=_LANES, unroll=8,
        carry=(zeros, zeros, zeros))(loss_body)
    acc_v[0, :] = acc_iq
    acc_v[1, :] = acc_eq
    acc_v[2, :] = cnt_iq
    pltpu.sync_copy(acc_v, out_hbm.at[b])


def _combine_body(p_ref, o_ref):
    p = p_ref[...]
    loss_iq = jnp.sum(p[:, 0, :])
    loss_eq = jnp.sum(p[:, 1, :])
    n_iq = jnp.sum(p[:, 2, :])
    n_eq = jnp.float32(_B * _N) - n_iq
    norm_iq = jnp.where(n_iq > 0, 1.0 / n_iq, 0.0)
    norm_eq = jnp.where(n_eq > 0, 1.0 / n_eq, 0.0)
    o_ref[0, 0] = _W_INEQ * norm_iq * loss_iq + _W_EQ * norm_eq * loss_eq


def kernel(predictions, targets):
    tgt = targets.astype(jnp.int32)
    addr_a = (tgt[:, :, 0] * 2 + tgt[:, :, 2]) * _W + tgt[:, :, 1]
    addr_b = (tgt[:, :, 3] * 2 + tgt[:, :, 5]) * _W + tgt[:, :, 4]
    packed = addr_a | (addr_b << 12) | (tgt[:, :, 6] << 24)

    mesh = plsc.VectorSubcoreMesh(core_axis_name="c", subcore_axis_name="s")
    partials = pl.kernel(
        _partials_body,
        mesh=mesh,
        compiler_params=pltpu.CompilerParams(needs_layout_passes=False),
        out_type=jax.ShapeDtypeStruct((_B, 3, _LANES), jnp.float32),
        scratch_types=[
            pltpu.VMEM((_N,), jnp.int32),
            pltpu.VMEM((_C * 2 * _W,), jnp.float32),
            pltpu.VMEM((3, _LANES), jnp.float32),
            pltpu.SemaphoreType.DMA,
            pltpu.SemaphoreType.DMA,
        ],
    )(predictions, packed)

    out = pl.pallas_call(
        _combine_body,
        out_shape=jax.ShapeDtypeStruct((1, 1), jnp.float32),
        out_specs=pl.BlockSpec(memory_space=pltpu.MemorySpace.SMEM),
    )(partials)
    return out[0, 0]

# --- scband reference (transcript-rebuilt; emitter-appended) ---
"""Pipeline reference for scband-lrizzloss-45775761441120 (READ-ONLY COPY).

The authoritative reference and input builder live on the scoring server;
editing this copy changes nothing except your own understanding.
"""

import jax, jax.numpy as jnp
import numpy as np

S = 1.0
L = 0.5
WEIGHT_EQ = 1.0
WEIGHT_INEQ = 1.0

def setup_inputs(seed: int = 0) -> dict:
    key = jax.random.key(seed)
    k1, k2 = jax.random.split(key)
    predictions = jax.random.normal(k1, (32, 2, 512, 512), dtype=jnp.float32)
    # targets: int64 [B, n_annos, 7]; randint in [0, 2) is valid for channel dims (C=2),
    # spatial dims (H=W=512 >= 2), and gives labels in {0, 1} (both eq and ineq present).
    targets = jax.random.randint(k2, (32, 2048, 7), 0, 2, dtype=jnp.int64)
    return {"predictions": predictions, "targets": targets}

def reference(predictions, targets):
    B = predictions.shape[0]
    b_idx = jnp.arange(B)[:, None]
    # pa[b, n] = predictions[b, targets[b,n,0], targets[b,n,2], targets[b,n,1]]
    pa = predictions[b_idx, targets[:, :, 0], targets[:, :, 2], targets[:, :, 1]]
    pb = predictions[b_idx, targets[:, :, 3], targets[:, :, 5], targets[:, :, 4]]
    diff = pb - pa
    lbl = targets[:, :, -1]
    lbl_f = lbl.astype(diff.dtype)
    ineq_mask = (lbl != 0)
    eq_mask = (lbl == 0)
    loss_ineq = jnp.sum(jnp.square(jax.nn.relu(S * L - S * diff * lbl_f)) * ineq_mask)
    loss_eq = jnp.sum(jnp.square(diff * S) * eq_mask)
    num_ineq = jnp.sum(ineq_mask)
    norm_ineq = jnp.where(num_ineq > 0, 1.0 / num_ineq.astype(jnp.float32), 0.0)
    num_eq = jnp.sum(eq_mask)
    norm_eq = jnp.where(num_eq > 0, 1.0 / num_eq.astype(jnp.float32), 0.0)
    return WEIGHT_INEQ * norm_ineq * loss_ineq + WEIGHT_EQ * norm_eq * loss_eq

if __name__ == "__main__":
    import jax
    _d = setup_inputs()
    print(jax.jit(kernel)(*tuple(_d.values())))

</pallas_src>

<mosaic_0001>
#map = affine_map<(d0, d1) -> (0, 0, 0, 0)>
#map1 = affine_map<(d0, d1) -> (0, 0)>
#map2 = affine_map<(d0, d1) -> (0, 0, 0)>
module attributes {stable_mosaic.version = 14 : i64} {
  func.func @_partials_body(%arg0: i32, %arg1: i32, %arg2: memref<32x2x512x512xf32, #tpu.memory_space<hbm>>, %arg3: memref<32x2048xi32, #tpu.memory_space<hbm>>, %arg4: memref<32x3x16xf32, #tpu.memory_space<hbm>>, %arg5: memref<2048xi32, #tpu.memory_space<vmem>>, %arg6: memref<2048xf32, #tpu.memory_space<vmem>>, %arg7: memref<3x16xf32, #tpu.memory_space<vmem>>, %arg8: memref<!tpu.dma_semaphore, #tpu.memory_space<semaphore_mem>>, %arg9: memref<!tpu.dma_semaphore, #tpu.memory_space<semaphore_mem>>) attributes {dimension_semantics = [#tpu.dimension_semantics<core_parallel>, #tpu.dimension_semantics<subcore_parallel>], iteration_bounds = array<i64: 2, 16>, scalar_prefetch = 0 : i64, scratch_operands = 5 : i64, tpu.core_type = #tpu.core_type<sc_vector_subcore>, window_params = [{transform_indices = #map}, {transform_indices = #map1}, {transform_indices = #map2}]} {
    %mul3A = arith.constant 2 : i32
    %mul3A_0 = arith.muli %arg1, %mul3A : i32
    %add3A = arith.addi %mul3A_0, %arg0 : i32
    %dma_start3A = arith.constant 0 : i32
    %dma_start3A_1 = tpu.memref_slice %arg3[%add3A, %dma_start3A] : memref<32x2048xi32, #tpu.memory_space<hbm>> -> memref<1x2048xi32, #tpu.memory_space<hbm>>
    %dma_start3A_2 = tpu.memref_squeeze %dma_start3A_1 : memref<1x2048xi32, #tpu.memory_space<hbm>> -> memref<2048xi32, #tpu.memory_space<hbm>>
    %dma_start3A_3 = arith.constant 0 : i32
    %dma_start3A_4 = tpu.memref_slice %arg3[%add3A, %dma_start3A_3] : memref<32x2048xi32, #tpu.memory_space<hbm>> -> memref<1x2048xi32, #tpu.memory_space<hbm>>
    %dma_start3A_5 = tpu.memref_squeeze %dma_start3A_4 : memref<1x2048xi32, #tpu.memory_space<hbm>> -> memref<2048xi32, #tpu.memory_space<hbm>>
    tpu.enqueue_dma source(%dma_start3A_5 : memref<2048xi32, #tpu.memory_space<hbm>>) target(%arg5 : memref<2048xi32, #tpu.memory_space<vmem>>) target_semaphore(%arg8 : memref<!tpu.dma_semaphore, #tpu.memory_space<semaphore_mem>>)
    %dma_start3A_6 = arith.constant 0 : i32
    %dma_start3A_7 = arith.constant 0 : i32
    %dma_start3A_8 = arith.constant 0 : i32
    %dma_start3A_9 = tpu.memref_slice %arg6[%dma_start3A_8] : memref<2048xf32, #tpu.memory_space<vmem>> -> memref<512xf32, #tpu.memory_space<vmem>>
    %dma_start3A_10 = arith.constant 0 : i32
    %dma_start3A_11 = tpu.memref_slice %arg2[%add3A, %dma_start3A_6, %dma_start3A_7, %dma_start3A_10] : memref<32x2x512x512xf32, #tpu.memory_space<hbm>> -> memref<1x1x1x512xf32, #tpu.memory_space<hbm>>
    %dma_start3A_12 = tpu.memref_squeeze %dma_start3A_11 : memref<1x1x1x512xf32, #tpu.memory_space<hbm>> -> memref<512xf32, #tpu.memory_space<hbm>>
    %dma_start3A_13 = arith.constant 0 : i32
    %dma_start3A_14 = tpu.memref_slice %arg6[%dma_start3A_13] : memref<2048xf32, #tpu.memory_space<vmem>> -> memref<512xf32, #tpu.memory_space<vmem>>
    %dma_start3A_15 = arith.constant 0 : i32
    %dma_start3A_16 = tpu.memref_slice %arg2[%add3A, %dma_start3A_6, %dma_start3A_7, %dma_start3A_15] : memref<32x2x512x512xf32, #tpu.memory_space<hbm>> -> memref<1x1x1x512xf32, #tpu.memory_space<hbm>>
    %dma_start3A_17 = tpu.memref_squeeze %dma_start3A_16 : memref<1x1x1x512xf32, #tpu.memory_space<hbm>> -> memref<512xf32, #tpu.memory_space<hbm>>
    tpu.enqueue_dma source(%dma_start3A_17 : memref<512xf32, #tpu.memory_space<hbm>>) target(%dma_start3A_14 : memref<512xf32, #tpu.memory_space<vmem>>) target_semaphore(%arg9 : memref<!tpu.dma_semaphore, #tpu.memory_space<semaphore_mem>>)
    %dma_start3A_18 = arith.constant 0 : i32
    %dma_start3A_19 = arith.constant 1 : i32
    %dma_start3A_20 = arith.constant 512 : i32
    %dma_start3A_21 = tpu.memref_slice %arg6[%dma_start3A_20] : memref<2048xf32, #tpu.memory_space<vmem>> -> memref<512xf32, #tpu.memory_space<vmem>>
    %dma_start3A_22 = arith.constant 0 : i32
    %dma_start3A_23 = tpu.memref_slice %arg2[%add3A, %dma_start3A_18, %dma_start3A_19, %dma_start3A_22] : memref<32x2x512x512xf32, #tpu.memory_space<hbm>> -> memref<1x1x1x512xf32, #tpu.memory_space<hbm>>
    %dma_start3A_24 = tpu.memref_squeeze %dma_start3A_23 : memref<1x1x1x512xf32, #tpu.memory_space<hbm>> -> memref<512xf32, #tpu.memory_space<hbm>>
    %dma_start3A_25 = arith.constant 512 : i32
    %dma_start3A_26 = tpu.memref_slice %arg6[%dma_start3A_25] : memref<2048xf32, #tpu.memory_space<vmem>> -> memref<512xf32, #tpu.memory_space<vmem>>
    %dma_start3A_27 = arith.constant 0 : i32
    %dma_start3A_28 = tpu.memref_slice %arg2[%add3A, %dma_start3A_18, %dma_start3A_19, %dma_start3A_27] : memref<32x2x512x512xf32, #tpu.memory_space<hbm>> -> memref<1x1x1x512xf32, #tpu.memory_space<hbm>>
    %dma_start3A_29 = tpu.memref_squeeze %dma_start3A_28 : memref<1x1x1x512xf32, #tpu.memory_space<hbm>> -> memref<512xf32, #tpu.memory_space<hbm>>
    tpu.enqueue_dma source(%dma_start3A_29 : memref<512xf32, #tpu.memory_space<hbm>>) target(%dma_start3A_26 : memref<512xf32, #tpu.memory_space<vmem>>) target_semaphore(%arg9 : memref<!tpu.dma_semaphore, #tpu.memory_space<semaphore_mem>>)
    %dma_start3A_30 = arith.constant 1 : i32
    %dma_start3A_31 = arith.constant 0 : i32
    %dma_start3A_32 = arith.constant 1024 : i32
    %dma_start3A_33 = tpu.memref_slice %arg6[%dma_start3A_32] : memref<2048xf32, #tpu.memory_space<vmem>> -> memref<512xf32, #tpu.memory_space<vmem>>
    %dma_start3A_34 = arith.constant 0 : i32
    %dma_start3A_35 = tpu.memref_slice %arg2[%add3A, %dma_start3A_30, %dma_start3A_31, %dma_start3A_34] : memref<32x2x512x512xf32, #tpu.memory_space<hbm>> -> memref<1x1x1x512xf32, #tpu.memory_space<hbm>>
    %dma_start3A_36 = tpu.memref_squeeze %dma_start3A_35 : memref<1x1x1x512xf32, #tpu.memory_space<hbm>> -> memref<512xf32, #tpu.memory_space<hbm>>
    %dma_start3A_37 = arith.constant 1024 : i32
    %dma_start3A_38 = tpu.memref_slice %arg6[%dma_start3A_37] : memref<2048xf32, #tpu.memory_space<vmem>> -> memref<512xf32, #tpu.memory_space<vmem>>
    %dma_start3A_39 = arith.constant 0 : i32
    %dma_start3A_40 = tpu.memref_slice %arg2[%add3A, %dma_start3A_30, %dma_start3A_31, %dma_start3A_39] : memref<32x2x512x512xf32, #tpu.memory_space<hbm>> -> memref<1x1x1x512xf32, #tpu.memory_space<hbm>>
    %dma_start3A_41 = tpu.memref_squeeze %dma_start3A_40 : memref<1x1x1x512xf32, #tpu.memory_space<hbm>> -> memref<512xf32, #tpu.memory_space<hbm>>
    tpu.enqueue_dma source(%dma_start3A_41 : memref<512xf32, #tpu.memory_space<hbm>>) target(%dma_start3A_38 : memref<512xf32, #tpu.memory_space<vmem>>) target_semaphore(%arg9 : memref<!tpu.dma_semaphore, #tpu.memory_space<semaphore_mem>>)
    %dma_start3A_42 = arith.constant 1 : i32
    %dma_start3A_43 = arith.constant 1 : i32
    %dma_start3A_44 = arith.constant 1536 : i32
    %dma_start3A_45 = tpu.memref_slice %arg6[%dma_start3A_44] : memref<2048xf32, #tpu.memory_space<vmem>> -> memref<512xf32, #tpu.memory_space<vmem>>
    %dma_start3A_46 = arith.constant 0 : i32
    %dma_start3A_47 = tpu.memref_slice %arg2[%add3A, %dma_start3A_42, %dma_start3A_43, %dma_start3A_46] : memref<32x2x512x512xf32, #tpu.memory_space<hbm>> -> memref<1x1x1x512xf32, #tpu.memory_space<hbm>>
    %dma_start3A_48 = tpu.memref_squeeze %dma_start3A_47 : memref<1x1x1x512xf32, #tpu.memory_space<hbm>> -> memref<512xf32, #tpu.memory_space<hbm>>
    %dma_start3A_49 = arith.constant 1536 : i32
    %dma_start3A_50 = tpu.memref_slice %arg6[%dma_start3A_49] : memref<2048xf32, #tpu.memory_space<vmem>> -> memref<512xf32, #tpu.memory_space<vmem>>
    %dma_start3A_51 = arith.constant 0 : i32
    %dma_start3A_52 = tpu.memref_slice %arg2[%add3A, %dma_start3A_42, %dma_start3A_43, %dma_start3A_51] : memref<32x2x512x512xf32, #tpu.memory_space<hbm>> -> memref<1x1x1x512xf32, #tpu.memory_space<hbm>>
    %dma_start3A_53 = tpu.memref_squeeze %dma_start3A_52 : memref<1x1x1x512xf32, #tpu.memory_space<hbm>> -> memref<512xf32, #tpu.memory_space<hbm>>
    tpu.enqueue_dma source(%dma_start3A_53 : memref<512xf32, #tpu.memory_space<hbm>>) target(%dma_start3A_50 : memref<512xf32, #tpu.memory_space<vmem>>) target_semaphore(%arg9 : memref<!tpu.dma_semaphore, #tpu.memory_space<semaphore_mem>>)
    %dma_wait3A = arith.constant 0 : i32
    %dma_wait3A_54 = tpu.memref_slice %arg3[%add3A, %dma_wait3A] : memref<32x2048xi32, #tpu.memory_space<hbm>> -> memref<1x2048xi32, #tpu.memory_space<hbm>>
    %dma_wait3A_55 = tpu.memref_squeeze %dma_wait3A_54 : memref<1x2048xi32, #tpu.memory_space<hbm>> -> memref<2048xi32, #tpu.memory_space<hbm>>
    %dma_wait3A_56 = arith.constant 0 : i32
    %dma_wait3A_57 = tpu.memref_slice %arg3[%add3A, %dma_wait3A_56] : memref<32x2048xi32, #tpu.memory_space<hbm>> -> memref<1x2048xi32, #tpu.memory_space<hbm>>
    %dma_wait3A_58 = tpu.memref_squeeze %dma_wait3A_57 : memref<1x2048xi32, #tpu.memory_space<hbm>> -> memref<2048xi32, #tpu.memory_space<hbm>>
    tpu.wait_dma2 semaphore(%arg8 : memref<!tpu.dma_semaphore, #tpu.memory_space<semaphore_mem>>) src(%dma_wait3A_58 : memref<2048xi32, #tpu.memory_space<hbm>>) dst(%arg5 : memref<2048xi32, #tpu.memory_space<vmem>>)
    %dma_wait3A_59 = arith.constant 0 : i32
    %dma_wait3A_60 = arith.constant 0 : i32
    %dma_wait3A_61 = arith.constant 0 : i32
    %dma_wait3A_62 = tpu.memref_slice %arg6[%dma_wait3A_61] : memref<2048xf32, #tpu.memory_space<vmem>> -> memref<512xf32, #tpu.memory_space<vmem>>
    %dma_wait3A_63 = arith.constant 0 : i32
    %dma_wait3A_64 = tpu.memref_slice %arg2[%add3A, %dma_wait3A_59, %dma_wait3A_60, %dma_wait3A_63] : memref<32x2x512x512xf32, #tpu.memory_space<hbm>> -> memref<1x1x1x512xf32, #tpu.memory_space<hbm>>
    %dma_wait3A_65 = tpu.memref_squeeze %dma_wait3A_64 : memref<1x1x1x512xf32, #tpu.memory_space<hbm>> -> memref<512xf32, #tpu.memory_space<hbm>>
    %dma_wait3A_66 = arith.constant 0 : i32
    %dma_wait3A_67 = tpu.memref_slice %arg6[%dma_wait3A_66] : memref<2048xf32, #tpu.memory_space<vmem>> -> memref<512xf32, #tpu.memory_space<vmem>>
    %dma_wait3A_68 = arith.constant 0 : i32
    %dma_wait3A_69 = tpu.memref_slice %arg2[%add3A, %dma_wait3A_59, %dma_wait3A_60, %dma_wait3A_68] : memref<32x2x512x512xf32, #tpu.memory_space<hbm>> -> memref<1x1x1x512xf32, #tpu.memory_space<hbm>>
    %dma_wait3A_70 = tpu.memref_squeeze %dma_wait3A_69 : memref<1x1x1x512xf32, #tpu.memory_space<hbm>> -> memref<512xf32, #tpu.memory_space<hbm>>
    tpu.wait_dma2 semaphore(%arg9 : memref<!tpu.dma_semaphore, #tpu.memory_space<semaphore_mem>>) src(%dma_wait3A_70 : memref<512xf32, #tpu.memory_space<hbm>>) dst(%dma_wait3A_67 : memref<512xf32, #tpu.memory_space<vmem>>)
    %dma_wait3A_71 = arith.constant 0 : i32
    %dma_wait3A_72 = arith.constant 1 : i32
    %dma_wait3A_73 = arith.constant 512 : i32
    %dma_wait3A_74 = tpu.memref_slice %arg6[%dma_wait3A_73] : memref<2048xf32, #tpu.memory_space<vmem>> -> memref<512xf32, #tpu.memory_space<vmem>>
    %dma_wait3A_75 = arith.constant 0 : i32
    %dma_wait3A_76 = tpu.memref_slice %arg2[%add3A, %dma_wait3A_71, %dma_wait3A_72, %dma_wait3A_75] : memref<32x2x512x512xf32, #tpu.memory_space<hbm>> -> memref<1x1x1x512xf32, #tpu.memory_space<hbm>>
    %dma_wait3A_77 = tpu.memref_squeeze %dma_wait3A_76 : memref<1x1x1x512xf32, #tpu.memory_space<hbm>> -> memref<512xf32, #tpu.memory_space<hbm>>
    %dma_wait3A_78 = arith.constant 512 : i32
    %dma_wait3A_79 = tpu.memref_slice %arg6[%dma_wait3A_78] : memref<2048xf32, #tpu.memory_space<vmem>> -> memref<512xf32, #tpu.memory_space<vmem>>
    %dma_wait3A_80 = arith.constant 0 : i32
    %dma_wait3A_81 = tpu.memref_slice %arg2[%add3A, %dma_wait3A_71, %dma_wait3A_72, %dma_wait3A_80] : memref<32x2x512x512xf32, #tpu.memory_space<hbm>> -> memref<1x1x1x512xf32, #tpu.memory_space<hbm>>
    %dma_wait3A_82 = tpu.memref_squeeze %dma_wait3A_81 : memref<1x1x1x512xf32, #tpu.memory_space<hbm>> -> memref<512xf32, #tpu.memory_space<hbm>>
    tpu.wait_dma2 semaphore(%arg9 : memref<!tpu.dma_semaphore, #tpu.memory_space<semaphore_mem>>) src(%dma_wait3A_82 : memref<512xf32, #tpu.memory_space<hbm>>) dst(%dma_wait3A_79 : memref<512xf32, #tpu.memory_space<vmem>>)
    %dma_wait3A_83 = arith.constant 1 : i32
    %dma_wait3A_84 = arith.constant 0 : i32
    %dma_wait3A_85 = arith.constant 1024 : i32
    %dma_wait3A_86 = tpu.memref_slice %arg6[%dma_wait3A_85] : memref<2048xf32, #tpu.memory_space<vmem>> -> memref<512xf32, #tpu.memory_space<vmem>>
    %dma_wait3A_87 = arith.constant 0 : i32
    %dma_wait3A_88 = tpu.memref_slice %arg2[%add3A, %dma_wait3A_83, %dma_wait3A_84, %dma_wait3A_87] : memref<32x2x512x512xf32, #tpu.memory_space<hbm>> -> memref<1x1x1x512xf32, #tpu.memory_space<hbm>>
    %dma_wait3A_89 = tpu.memref_squeeze %dma_wait3A_88 : memref<1x1x1x512xf32, #tpu.memory_space<hbm>> -> memref<512xf32, #tpu.memory_space<hbm>>
    %dma_wait3A_90 = arith.constant 1024 : i32
    %dma_wait3A_91 = tpu.memref_slice %arg6[%dma_wait3A_90] : memref<2048xf32, #tpu.memory_space<vmem>> -> memref<512xf32, #tpu.memory_space<vmem>>
    %dma_wait3A_92 = arith.constant 0 : i32
    %dma_wait3A_93 = tpu.memref_slice %arg2[%add3A, %dma_wait3A_83, %dma_wait3A_84, %dma_wait3A_92] : memref<32x2x512x512xf32, #tpu.memory_space<hbm>> -> memref<1x1x1x512xf32, #tpu.memory_space<hbm>>
    %dma_wait3A_94 = tpu.memref_squeeze %dma_wait3A_93 : memref<1x1x1x512xf32, #tpu.memory_space<hbm>> -> memref<512xf32, #tpu.memory_space<hbm>>
    tpu.wait_dma2 semaphore(%arg9 : memref<!tpu.dma_semaphore, #tpu.memory_space<semaphore_mem>>) src(%dma_wait3A_94 : memref<512xf32, #tpu.memory_space<hbm>>) dst(%dma_wait3A_91 : memref<512xf32, #tpu.memory_space<vmem>>)
    %dma_wait3A_95 = arith.constant 1 : i32
    %dma_wait3A_96 = arith.constant 1 : i32
    %dma_wait3A_97 = arith.constant 1536 : i32
    %dma_wait3A_98 = tpu.memref_slice %arg6[%dma_wait3A_97] : memref<2048xf32, #tpu.memory_space<vmem>> -> memref<512xf32, #tpu.memory_space<vmem>>
    %dma_wait3A_99 = arith.constant 0 : i32
    %dma_wait3A_100 = tpu.memref_slice %arg2[%add3A, %dma_wait3A_95, %dma_wait3A_96, %dma_wait3A_99] : memref<32x2x512x512xf32, #tpu.memory_space<hbm>> -> memref<1x1x1x512xf32, #tpu.memory_space<hbm>>
    %dma_wait3A_101 = tpu.memref_squeeze %dma_wait3A_100 : memref<1x1x1x512xf32, #tpu.memory_space<hbm>> -> memref<512xf32, #tpu.memory_space<hbm>>
    %dma_wait3A_102 = arith.constant 1536 : i32
    %dma_wait3A_103 = tpu.memref_slice %arg6[%dma_wait3A_102] : memref<2048xf32, #tpu.memory_space<vmem>> -> memref<512xf32, #tpu.memory_space<vmem>>
    %dma_wait3A_104 = arith.constant 0 : i32
    %dma_wait3A_105 = tpu.memref_slice %arg2[%add3A, %dma_wait3A_95, %dma_wait3A_96, %dma_wait3A_104] : memref<32x2x512x512xf32, #tpu.memory_space<hbm>> -> memref<1x1x1x512xf32, #tpu.memory_space<hbm>>
    %dma_wait3A_106 = tpu.memref_squeeze %dma_wait3A_105 : memref<1x1x1x512xf32, #tpu.memory_space<hbm>> -> memref<512xf32, #tpu.memory_space<hbm>>
    tpu.wait_dma2 semaphore(%arg9 : memref<!tpu.dma_semaphore, #tpu.memory_space<semaphore_mem>>) src(%dma_wait3A_106 : memref<512xf32, #tpu.memory_space<hbm>>) dst(%dma_wait3A_103 : memref<512xf32, #tpu.memory_space<vmem>>)
    %broadcast_in_dim3A = arith.constant 0.000000e+00 : f32
    %broadcast_in_dim3A_107 = vector.broadcast %broadcast_in_dim3A : f32 to vector<16xf32>
    %parallel_loop3A = arith.constant 0 : i32
    %parallel_loop3A_108 = arith.constant 2048 : i32
    %parallel_loop3A_109 = arith.constant 16 : i32
    %parallel_loop3A_110:3 = scf.for %parallel_loop3A_122 = %parallel_loop3A to %parallel_loop3A_108 step %parallel_loop3A_109 iter_args(%parallel_loop3A_123 = %broadcast_in_dim3A_107, %parallel_loop3A_124 = %broadcast_in_dim3A_107, %parallel_loop3A_125 = %broadcast_in_dim3A_107) -> (vector<16xf32>, vector<16xf32>, vector<16xf32>)  : i32 {
      %parallel_loop3A_126 = arith.index_cast %parallel_loop3A_122 : i32 to index
      %parallel_loop3A_127 = tpu.vector_load %arg5[%parallel_loop3A_126] {strides = array<i32>} : memref<2048xi32, #tpu.memory_space<vmem>>, vector<16xi32>,
      %parallel_loop3A_128 = arith.constant 4095 : i32
      %parallel_loop3A_129 = vector.broadcast %parallel_loop3A_128 : i32 to vector<16xi32>
      %parallel_loop3A_130 = arith.andi %parallel_loop3A_127, %parallel_loop3A_129 : vector<16xi32>
      %parallel_loop3A_131 = arith.constant 12 : i32
      %parallel_loop3A_132 = vector.broadcast %parallel_loop3A_131 : i32 to vector<16xi32>
      %parallel_loop3A_133 = arith.shrsi %parallel_loop3A_127, %parallel_loop3A_132 : vector<16xi32>
      %parallel_loop3A_134 = arith.constant 4095 : i32
      %parallel_loop3A_135 = vector.broadcast %parallel_loop3A_134 : i32 to vector<16xi32>
      %parallel_loop3A_136 = arith.andi %parallel_loop3A_133, %parallel_loop3A_135 : vector<16xi32>
      %parallel_loop3A_137 = arith.constant 24 : i32
      %parallel_loop3A_138 = vector.broadcast %parallel_loop3A_137 : i32 to vector<16xi32>
      %parallel_loop3A_139 = arith.shrsi %parallel_loop3A_127, %parallel_loop3A_138 : vector<16xi32>
      %parallel_loop3A_140 = tpu.vector_load_idx %arg6[%parallel_loop3A_130] : memref<2048xf32, #tpu.memory_space<vmem>>[vector<16xi32>], vector<16xf32>,
      %parallel_loop3A_141 = tpu.vector_load_idx %arg6[%parallel_loop3A_136] : memref<2048xf32, #tpu.memory_space<vmem>>[vector<16xi32>], vector<16xf32>,
      %parallel_loop3A_142 = arith.subf %parallel_loop3A_141, %parallel_loop3A_140 : vector<16xf32>
      %parallel_loop3A_143 = arith.sitofp %parallel_loop3A_139 : vector<16xi32> to vector<16xf32>
      %parallel_loop3A_144 = arith.constant 0 : i32
      %parallel_loop3A_145 = vector.broadcast %parallel_loop3A_144 : i32 to vector<16xi32>
      %parallel_loop3A_146 = arith.cmpi ne, %parallel_loop3A_139, %parallel_loop3A_145 : vector<16xi32>
      %parallel_loop3A_147 = arith.constant 1.000000e+00 : f32
      %parallel_loop3A_148 = vector.broadcast %parallel_loop3A_147 : f32 to vector<16xf32>
      %parallel_loop3A_149 = arith.mulf %parallel_loop3A_148, %parallel_loop3A_142 : vector<16xf32>
      %parallel_loop3A_150 = arith.mulf %parallel_loop3A_149, %parallel_loop3A_143 : vector<16xf32>
      %parallel_loop3A_151 = arith.constant 5.000000e-01 : f32
      %parallel_loop3A_152 = vector.broadcast %parallel_loop3A_151 : f32 to vector<16xf32>
      %parallel_loop3A_153 = arith.subf %parallel_loop3A_152, %parallel_loop3A_150 : vector<16xf32>
      %parallel_loop3A_154 = arith.constant 0.000000e+00 : f32
      %parallel_loop3A_155 = vector.broadcast %parallel_loop3A_154 : f32 to vector<16xf32>
      %parallel_loop3A_156 = arith.maximumf %parallel_loop3A_153, %parallel_loop3A_155 : vector<16xf32>
      %parallel_loop3A_157 = arith.constant 1.000000e+00 : f32
      %parallel_loop3A_158 = vector.broadcast %parallel_loop3A_157 : f32 to vector<16xf32>
      %parallel_loop3A_159 = arith.mulf %parallel_loop3A_158, %parallel_loop3A_142 : vector<16xf32>
      %parallel_loop3A_160 = arith.constant 1.000000e+00 : f32
      %parallel_loop3A_161 = vector.broadcast %parallel_loop3A_160 : f32 to vector<16xf32>
      %parallel_loop3A_162 = arith.mulf %parallel_loop3A_161, %parallel_loop3A_142 : vector<16xf32>
      %parallel_loop3A_163 = arith.mulf %parallel_loop3A_159, %parallel_loop3A_162 : vector<16xf32>
      %parallel_loop3A_164 = arith.mulf %parallel_loop3A_156, %parallel_loop3A_156 : vector<16xf32>
      %parallel_loop3A_165 = arith.constant 0.000000e+00 : f32
      %parallel_loop3A_166 = vector.broadcast %parallel_loop3A_165 : f32 to vector<16xf32>
      %parallel_loop3A_167 = arith.select %parallel_loop3A_146, %parallel_loop3A_164, %parallel_loop3A_166 : vector<16xi1>, vector<16xf32>
      %parallel_loop3A_168 = arith.addf %parallel_loop3A_123, %parallel_loop3A_167 : vector<16xf32>
      %parallel_loop3A_169 = arith.constant 0.000000e+00 : f32
      %parallel_loop3A_170 = vector.broadcast %parallel_loop3A_169 : f32 to vector<16xf32>
      %parallel_loop3A_171 = arith.select %parallel_loop3A_146, %parallel_loop3A_170, %parallel_loop3A_163 : vector<16xi1>, vector<16xf32>
      %parallel_loop3A_172 = arith.addf %parallel_loop3A_124, %parallel_loop3A_171 : vector<16xf32>
      %parallel_loop3A_173 = arith.constant 1.000000e+00 : f32
      %parallel_loop3A_174 = arith.constant 0.000000e+00 : f32
      %parallel_loop3A_175 = vector.broadcast %parallel_loop3A_173 : f32 to vector<16xf32>
      %parallel_loop3A_176 = vector.broadcast %parallel_loop3A_174 : f32 to vector<16xf32>
      %parallel_loop3A_177 = arith.select %parallel_loop3A_146, %parallel_loop3A_175, %parallel_loop3A_176 : vector<16xi1>, vector<16xf32>
      %parallel_loop3A_178 = arith.addf %parallel_loop3A_125, %parallel_loop3A_177 : vector<16xf32>
      scf.yield %parallel_loop3A_168, %parallel_loop3A_172, %parallel_loop3A_178 : vector<16xf32>, vector<16xf32>, vector<16xf32>
    } {sc.loop_unroll_factor = 8 : i64, sc.parallel_access}
    %swap3A = arith.constant 0 : i32
    %swap3A_111 = arith.index_cast %swap3A : i32 to index
    %swap3A_112 = arith.constant 0 : index
    %swap3A_113 = tpu.vector_load %arg7[%swap3A_111, %swap3A_112] {strides = array<i32>} : memref<3x16xf32, #tpu.memory_space<vmem>>, vector<16xf32>,
    tpu.vector_store %arg7[%swap3A_111, %swap3A_112], %parallel_loop3A_110#0 {strides = array<i32>} : memref<3x16xf32, #tpu.memory_space<vmem>>, vector<16xf32>,
    %swap3A_114 = arith.constant 1 : i32
    %swap3A_115 = arith.index_cast %swap3A_114 : i32 to index
    %swap3A_116 = arith.constant 0 : index
    %swap3A_117 = tpu.vector_load %arg7[%swap3A_115, %swap3A_116] {strides = array<i32>} : memref<3x16xf32, #tpu.memory_space<vmem>>, vector<16xf32>,
    tpu.vector_store %arg7[%swap3A_115, %swap3A_116], %parallel_loop3A_110#1 {strides = array<i32>} : memref<3x16xf32, #tpu.memory_space<vmem>>, vector<16xf32>,
    %swap3A_118 = arith.constant 2 : i32
    %swap3A_119 = arith.index_cast %swap3A_118 : i32 to index
    %swap3A_120 = arith.constant 0 : index
    %swap3A_121 = tpu.vector_load %arg7[%swap3A_119, %swap3A_120] {strides = array<i32>} : memref<3x16xf32, #tpu.memory_space<vmem>>, vector<16xf32>,
    tpu.vector_store %arg7[%swap3A_119, %swap3A_120], %parallel_loop3A_110#2 {strides = array<i32>} : memref<3x16xf32, #tpu.memory_space<vmem>>, vector<16xf32>,
    "tpu.region"() ({
      %run_scoped3A = tpu.sem_alloc : memref<!tpu.dma_semaphore, #tpu.memory_space<semaphore_mem>>
      %dma_start3A_122 = arith.constant 0 : i32
      %dma_start3A_123 = arith.constant 0 : i32
      %dma_start3A_124 = tpu.memref_slice %arg4[%add3A, %dma_start3A_122, %dma_start3A_123] : memref<32x3x16xf32, #tpu.memory_space<hbm>> -> memref<1x3x16xf32, #tpu.memory_space<hbm>>
      %dma_start3A_125 = tpu.memref_squeeze %dma_start3A_124 : memref<1x3x16xf32, #tpu.memory_space<hbm>> -> memref<3x16xf32, #tpu.memory_space<hbm>>
      %dma_start3A_126 = arith.constant 0 : i32
      %dma_start3A_127 = arith.constant 0 : i32
      %dma_start3A_128 = tpu.memref_slice %arg4[%add3A, %dma_start3A_126, %dma_start3A_127] : memref<32x3x16xf32, #tpu.memory_space<hbm>> -> memref<1x3x16xf32, #tpu.memory_space<hbm>>
      %dma_start3A_129 = tpu.memref_squeeze %dma_start3A_128 : memref<1x3x16xf32, #tpu.memory_space<hbm>> -> memref<3x16xf32, #tpu.memory_space<hbm>>
      tpu.enqueue_dma source(%arg7 : memref<3x16xf32, #tpu.memory_space<vmem>>) target(%dma_start3A_129 : memref<3x16xf32, #tpu.memory_space<hbm>>) target_semaphore(%run_scoped3A : memref<!tpu.dma_semaphore, #tpu.memory_space<semaphore_mem>>)
      %dma_wait3A_130 = arith.constant 0 : i32
      %dma_wait3A_131 = arith.constant 0 : i32
      %dma_wait3A_132 = tpu.memref_slice %arg4[%add3A, %dma_wait3A_130, %dma_wait3A_131] : memref<32x3x16xf32, #tpu.memory_space<hbm>> -> memref<1x3x16xf32, #tpu.memory_space<hbm>>
      %dma_wait3A_133 = tpu.memref_squeeze %dma_wait3A_132 : memref<1x3x16xf32, #tpu.memory_space<hbm>> -> memref<3x16xf32, #tpu.memory_space<hbm>>
      %dma_wait3A_134 = arith.constant 0 : i32
      %dma_wait3A_135 = arith.constant 0 : i32
      %dma_wait3A_136 = tpu.memref_slice %arg4[%add3A, %dma_wait3A_134, %dma_wait3A_135] : memref<32x3x16xf32, #tpu.memory_space<hbm>> -> memref<1x3x16xf32, #tpu.memory_space<hbm>>
      %dma_wait3A_137 = tpu.memref_squeeze %dma_wait3A_136 : memref<1x3x16xf32, #tpu.memory_space<hbm>> -> memref<3x16xf32, #tpu.memory_space<hbm>>
      tpu.wait_dma2 semaphore(%run_scoped3A : memref<!tpu.dma_semaphore, #tpu.memory_space<semaphore_mem>>) src(%arg7 : memref<3x16xf32, #tpu.memory_space<vmem>>) dst(%dma_wait3A_137 : memref<3x16xf32, #tpu.memory_space<hbm>>)
      tpu.yield
    }) : () -> ()
    return
  }
}

module attributes {stable_mosaic.version = 14 : i64} {
  func.func @_combine_body(%arg0: memref<32x3x16xf32, #tpu.memory_space<vmem>>, %arg1: memref<1x1xf32, #tpu.memory_space<smem>>) attributes {dimension_semantics = [], scalar_prefetch = 0 : i64, scratch_operands = 0 : i64, tpu.core_type = #tpu.core_type<tc>} {
    %get3A = arith.constant 0 : index
    %get3A_0 = arith.constant 0 : index
    %get3A_1 = arith.constant 0 : index
    %get3A_2 = vector.load %arg0[%get3A, %get3A_0, %get3A_1] : memref<32x3x16xf32, #tpu.memory_space<vmem>>, vector<32x3x16xf32>
    %slice3A = vector.extract_strided_slice %get3A_2 {offsets = [0, 0, 0], sizes = [32, 1, 16], strides = [1, 1, 1]} : vector<32x3x16xf32> to vector<32x1x16xf32>
    %squeeze3A = vector.shape_cast %slice3A : vector<32x1x16xf32> to vector<32x16xf32>
    %reduce_sum3A = vector.shape_cast %squeeze3A : vector<32x16xf32> to vector<1x32x16xf32>
    %reduce_sum3A_3 = arith.constant dense<0.000000e+00> : vector<1xf32>
    %reduce_sum3A_4 = vector.multi_reduction <add>, %reduce_sum3A, %reduce_sum3A_3 [1, 2] : vector<1x32x16xf32> to vector<1xf32>
    %reduce_sum3A_5 = vector.shape_cast %reduce_sum3A_4 : vector<1xf32> to vector<1x1x1xf32>
    %reduce_sum3A_6 = vector.extract %reduce_sum3A_5[0, 0, 0] : f32 from vector<1x1x1xf32>
    %slice3A_7 = vector.extract_strided_slice %get3A_2 {offsets = [0, 1, 0], sizes = [32, 1, 16], strides = [1, 1, 1]} : vector<32x3x16xf32> to vector<32x1x16xf32>
    %squeeze3A_8 = vector.shape_cast %slice3A_7 : vector<32x1x16xf32> to vector<32x16xf32>
    %reduce_sum3A_9 = vector.shape_cast %squeeze3A_8 : vector<32x16xf32> to vector<1x32x16xf32>
    %reduce_sum3A_10 = arith.constant dense<0.000000e+00> : vector<1xf32>
    %reduce_sum3A_11 = vector.multi_reduction <add>, %reduce_sum3A_9, %reduce_sum3A_10 [1, 2] : vector<1x32x16xf32> to vector<1xf32>
    %reduce_sum3A_12 = vector.shape_cast %reduce_sum3A_11 : vector<1xf32> to vector<1x1x1xf32>
    %reduce_sum3A_13 = vector.extract %reduce_sum3A_12[0, 0, 0] : f32 from vector<1x1x1xf32>
    %slice3A_14 = vector.extract_strided_slice %get3A_2 {offsets = [0, 2, 0], sizes = [32, 1, 16], strides = [1, 1, 1]} : vector<32x3x16xf32> to vector<32x1x16xf32>
    %squeeze3A_15 = vector.shape_cast %slice3A_14 : vector<32x1x16xf32> to vector<32x16xf32>
    %reduce_sum3A_16 = vector.shape_cast %squeeze3A_15 : vector<32x16xf32> to vector<1x32x16xf32>
    %reduce_sum3A_17 = arith.constant dense<0.000000e+00> : vector<1xf32>
    %reduce_sum3A_18 = vector.multi_reduction <add>, %reduce_sum3A_16, %reduce_sum3A_17 [1, 2] : vector<1x32x16xf32> to vector<1xf32>
    %reduce_sum3A_19 = vector.shape_cast %reduce_sum3A_18 : vector<1xf32> to vector<1x1x1xf32>
    %reduce_sum3A_20 = vector.extract %reduce_sum3A_19[0, 0, 0] : f32 from vector<1x1x1xf32>
    %sub3A = arith.constant 6.553600e+04 : f32
    %sub3A_21 = arith.subf %sub3A, %reduce_sum3A_20 : f32
    %gt3A = arith.constant 0.000000e+00 : f32
    %gt3A_22 = arith.cmpf ogt, %reduce_sum3A_20, %gt3A : f32
    %div3A = arith.constant 1.000000e+00 : f32
    %div3A_23 = arith.divf %div3A, %reduce_sum3A_20 : f32
    %jit3A = arith.constant 0.000000e+00 : f32
    %select_n3A = arith.select %gt3A_22, %div3A_23, %jit3A : f32
    %gt3A_24 = arith.constant 0.000000e+00 : f32
    %gt3A_25 = arith.cmpf ogt, %sub3A_21, %gt3A_24 : f32
    %div3A_26 = arith.constant 1.000000e+00 : f32
    %div3A_27 = arith.divf %div3A_26, %sub3A_21 : f32
    %jit3A_28 = arith.constant 0.000000e+00 : f32
    %select_n3A_29 = arith.select %gt3A_25, %div3A_27, %jit3A_28 : f32
    %mul3A = arith.constant 1.000000e+00 : f32
    %mul3A_30 = arith.mulf %mul3A, %select_n3A : f32
    %mul3A_31 = arith.mulf %mul3A_30, %reduce_sum3A_6 : f32
    %mul3A_32 = arith.constant 1.000000e+00 : f32
    %mul3A_33 = arith.mulf %mul3A_32, %select_n3A_29 : f32
    %mul3A_34 = arith.mulf %mul3A_33, %reduce_sum3A_13 : f32
    %add3A = arith.addf %mul3A_31, %mul3A_34 : f32
    %swap3A = arith.constant 0 : index
    %swap3A_35 = arith.constant 0 : index
    %swap3A_36 = memref.load %arg1[%swap3A, %swap3A_35] : memref<1x1xf32, #tpu.memory_space<smem>>
    memref.store %add3A, %arg1[%swap3A, %swap3A_35] : memref<1x1xf32, #tpu.memory_space<smem>>
    return
  }
}

</mosaic_0001>

<sc_bundles>
// kernel: kernel.4.cloned.1.call-start
scs
__scs_entry_jumppad:
0x0: {  	(pc) =	sbr.rel $0x88, $3  }
0x1: {  	(tag) =	ssettag $0x0;
	lr =	simm.s32 $0x1  }
0x2: {  	[smem:$0x3F9F] =	sst lr;
	_ =	strace $0xD0000000  }
0x3: {  	_ = 	snop  }
0x4: {  	_ = 	snop  }
0x5: {  	_ = 	snop  }
0x6: {  	_ = 	snop  }
0x7: {  	_ = 	snop  }
__scs_overlays_trampoline_lowered:
0x8: {  	[smem:$0x3FAE] =	sst s0  }
0x9: {  	[smem:$0x3FAF] =	sst s1  }
0xa: {  	[smem:$0x3FB0] =	sst s2  }
0xb: {  	[smem:$0x3FB1] =	sst s3  }
0xc: {  	[smem:$0x3FB2] =	sst s4  }
0xd: {  	[smem:$0x3FB3] =	sst s5  }
0xe: {  	[smem:$0x3FB4] =	sst s6  }
0xf: {  	[smem:$0x3FB5] =	sst s7  }
0x10: {  	[smem:$0x3FB6] =	sst s8  }
0x11: {  	[smem:$0x3FB7] =	sst s9;
	s0 =	simm.s32 @!p0 $0x0  }
0x12: {  	s1 =	sld [smem:$0x3F9D];
	s0 =	simm.s32 @p0 $0x1  }
0x13: {  	[smem:$0x3FB8] =	sst s0;
	s0 =	simm.s32 @!p1 $0x0  }
0x14: {  	s2 =	sld [smem:$0x3F9C];
	s0 =	simm.s32 @p1 $0x1  }
0x15: {  	[smem:$0x3FB9] =	sst s0;
	s0 =	simm.s32 @!p2 $0x0  }
0x16: {  	s3 =	sld [smem:$0x3FDB];
	s0 =	simm.s32 @p2 $0x1  }
0x17: {  	s4 =	simm.s32 $0x1BF5;
	[smem:$0x3FBB] =	sst s0  }
0x18: {  	s0 =	sld [smem:$0x3F9E];
	_ =	swait.ge [sflag:s4], $0x0  }
0x19: {  	s7 =	sld [smem:$0x3F9F]  }
0x1a: {  	s8 =	sadd.s32 $0xFFFFE003, lr  }
0x1b: {  	s9 =	sadd.s32 $0xFFFFFEF7, lr;
	s5 =	simm.s32 $0xFFFFFFFF;
	p2 =	slt.u32 s8, $0xFFFFF086  }
0x1c: {  	p1 =	slt.u32 s9, $0xF7A;
	s5 =	simm.s32 @!p2 $0x0  }
0x1d: {  	s5 =	simm.s32 @p1 $0x1;
	p0 =	seq.s32 s7, s2  }
0x1e: {  	s7 =	smul.u32 @!p0 $0xF7A, s2;
	p2 =	seq.s32 @!p0 s5, $0x0  }
0x1f: {  	s9 =	smul.u32 $0xF7A, s1;
	s8 =	simm.s32 @!p0 $0x1BF5;
	p2 =	por !p2, p0  }
0x20: {  	[sflag:s8] =	ssyncset.s32 @!p0 $0xFFFFF086;
	s6 =	sadd.s32 @!p0 s3, s7;
	s7 =	simm.s32 @!p0 $0x108  }
0x21: {  	s3 =	sadd.s32 s3, s9;
	s6 =	sadd.s32 @!p0 $0x88, s6;
	s7 =	simm.s32 @p2 $0x1082  }
0x22: {  	[simem:s7], [sflag:s8] =	dma.local @!p0 [hbm:s6], $0xF7A  }
0x23: {  	s9 =	sor.u32 $0xD0000000, s2;
	s6 =	simm.s32 $0x108;
	_ =	swait.ge @!p0 [sflag:s8], $0x0  }
0x24: {  	s3 =	sadd.s32 $0x88, s3;
	s6 =	simm.s32 @!p1 $0x1082;
	[sflag:s4] =	ssyncset.s32 $0xFFFFF086  }
0x25: {  	[simem:s6], [sflag:s4] =	dma.local [hbm:s3], $0xF7A  }
0x26: {  	[smem:$0x3F9F] =	sst s1;
	(tag) =	ssettag s2;
	_ =	strace s9  }
0x27: {  	s1 =	sld [smem:$0x3FAF]  }
0x28: {  	s2 =	sld [smem:$0x3FB0]  }
0x29: {  	s4 =	sld [smem:$0x3FB2]  }
0x2a: {  	p0 =	seq.s32 s5, $0x0;
	s5 =	sld [smem:$0x3FB3]  }
0x2b: {  	s6 =	sld [smem:$0x3FB4]  }
0x2c: {  	s7 =	sld [smem:$0x3FB5]  }
0x2d: {  	s3 =	simm.s32 $0x108;
	s8 =	sld [smem:$0x3FB6]  }
0x2e: {  	s3 =	simm.s32 @!p0 $0x1082;
	s9 =	sld [smem:$0x3FB7]  }
0x2f: {  	lr =	sadd.s32 s0, s3;
	s0 =	sld [smem:$0x3FAE]  }
0x30: {  	s3 =	sld [smem:$0x3FB1]  }
0x31: {  	[smem:$0x3FBA] =	sst s10  }
0x32: {  	s10 =	sld [smem:$0x3FB8];
	_ =	sdelay $0x3  }
0x33: {  	p0 =	seq.s32 s10, $0x1;
	s10 =	sld [smem:$0x3FBA];
	_ =	sdelay $0x3  }
0x34: {  	[smem:$0x3FBA] =	sst s10  }
0x35: {  	s10 =	sld [smem:$0x3FB9];
	_ =	sdelay $0x3  }
0x36: {  	p1 =	seq.s32 s10, $0x1;
	s10 =	sld [smem:$0x3FBA];
	_ =	sdelay $0x3  }
0x37: {  	[smem:$0x3FBA] =	sst s10  }
0x38: {  	s10 =	sld [smem:$0x3FBB]  }
0x39: {  	_ = 	snop;
	(pc) =	sbr.ind lr, $3  }
0x3a: {  	_ = 	snop  }
0x3b: {  	_ = 	snop  }
0x3c: {  	p2 =	seq.s32 s10, $0x1;
	s10 =	sld [smem:$0x3FBA]  }
0x3d: {  	_ =	shalt  }
0x3e: {  	_ =	shalt  }
0x3f: {  	_ =	shalt  }
0x40: {  	_ =	shalt  }
0x41: {  	_ =	shalt  }
0x42: {  	_ =	shalt  }
0x43: {  	_ =	shalt  }
0x44: {  	_ =	shalt  }
0x45: {  	_ =	shalt  }
0x46: {  	_ =	shalt  }
0x47: {  	_ =	shalt  }
0x48: {  	_ =	shalt  }
0x49: {  	_ =	shalt  }
0x4a: {  	_ =	shalt  }
0x4b: {  	_ =	shalt  }
0x4c: {  	_ =	shalt  }
0x4d: {  	_ =	shalt  }
0x4e: {  	_ =	shalt  }
0x4f: {  	_ =	shalt  }
0x50: {  	_ =	shalt  }
0x51: {  	_ =	shalt  }
0x52: {  	_ =	shalt  }
0x53: {  	_ =	shalt  }
0x54: {  	_ =	shalt  }
0x55: {  	_ =	shalt  }
0x56: {  	_ =	shalt  }
0x57: {  	_ =	shalt  }
0x58: {  	_ =	shalt  }
0x59: {  	_ =	shalt  }
0x5a: {  	_ =	shalt  }
0x5b: {  	_ =	shalt  }
0x5c: {  	_ =	shalt  }
0x5d: {  	_ =	shalt  }
0x5e: {  	_ =	shalt  }
0x5f: {  	_ =	shalt  }
0x60: {  	_ =	shalt  }
0x61: {  	_ =	shalt  }
0x62: {  	_ =	shalt  }
0x63: {  	_ =	shalt  }
0x64: {  	_ =	shalt  }
0x65: {  	_ =	shalt  }
0x66: {  	_ =	shalt  }
0x67: {  	_ =	shalt  }
0x68: {  	_ =	shalt  }
0x69: {  	_ =	shalt  }
0x6a: {  	_ =	shalt  }
0x6b: {  	_ =	shalt  }
0x6c: {  	_ =	shalt  }
0x6d: {  	_ =	shalt  }
0x6e: {  	_ =	shalt  }
0x6f: {  	_ =	shalt  }
0x70: {  	_ =	shalt  }
0x71: {  	_ =	shalt  }
0x72: {  	_ =	shalt  }
0x73: {  	_ =	shalt  }
0x74: {  	_ =	shalt  }
0x75: {  	_ =	shalt  }
0x76: {  	_ =	shalt  }
0x77: {  	_ =	shalt  }
0x78: {  	_ =	shalt  }
0x79: {  	_ =	shalt  }
0x7a: {  	_ =	shalt  }
0x7b: {  	_ =	shalt  }
0x7c: {  	_ =	shalt  }
0x7d: {  	_ =	shalt  }
0x7e: {  	_ =	shalt  }
0x7f: {  	_ =	shalt  }
0x80: {  	_ =	shalt  }
0x81: {  	_ =	shalt  }
0x82: {  	_ =	shalt  }
0x83: {  	_ =	shalt  }
0x84: {  	_ =	shalt  }
0x85: {  	_ =	shalt  }
0x86: {  	_ =	shalt  }
0x87: {  	_ =	shalt  }
.Lfunc_end0:
.L_simem_size_0:
called_computation_lowered:
.L_overlay_start_0:
0x88: {  	s2 =	sld [smem:$0x3FD9]  }
0x89: {  	s3 =	sld [smem:$0x3FFE];
	_ =	sdelay $0x1  }
0x8a: {  	s1 =	srdreg.scid  }
0x8b: {  	s0 =	sand.u32 $0x1, s1  }
0x8c: {  	s17 =	sshll.u32 s0, $0xA;
	s2 =	sadd.s32 s3, s2  }
0x8d: {  	s2 =	sadd.s32 s2, s17  }
0x8e: {  	[smem:$0x3FC6] =	sst s2  }
0x8f: {  	_ = 	snop  }
0x90: {  	s2 =	sld [smem:$0x3FC9];
	(tm) =	ssettm $0x1  }
0x91: {  	s18 =	sld [smem:$0x3FFB];
	_ =	sdelay $0x3  }
0x92: {  	_ =	strace s18  }
0x93: {  	s3 =	sld [smem:$0x3FFC];
	_ =	sdelay $0x3  }
0x94: {  	_ =	strace s3  }
0x95: {  	s3 =	sld [smem:$0x3FFD];
	_ =	sdelay $0x3  }
0x96: {  	_ =	strace s3  }
0x97: {  	_ =	strace $0x8FFFFFFF  }
0x98: {  	s19 =	sld [smem:$0x3FDB];
	_ =	sdelay $0x1  }
0x99: {  	s4 =	simm.s32 $_scs_section_size  }
0x9a: {  	s5 =	simm.s32 $_size__tile_overlayer_lowered;
	s6 =	simm.s32 $_tile_overlayer_lowered  }
0x9b: {  	s22 =	simm.s32 $0x1BFF;
	s21 =	sshll.u32 s6, $0x1;
	s3 =	sadd.s32 s4, s19  }
0x9c: {  	s7 =	simm.s32 $0x0;
	s20 =	sshll.u32 s5, $0x1;
	s5 =	sadd.s32 s21, s3  }
0x9d: {  	[timem:s7], [sflag:s22] =	dma.local [hbm:s5], s20  }
0x9e: {  	_ =	swait.ge [sflag:s22], s20  }
0x9f: {  	s4 =	ssub.s32 $0x0, s20;
	[sflag:s22] =	ssyncset.done $0x0  }
0xa0: {  	[sflag:s22] =	ssyncadd.s32 s4;
	_ =	sdelay $0x1  }
0xa1: {  	s23 =	simm.s32 $0x1B8B  }
0xa2: {  	_ =	swait.ge [sflag:s23], $0x1  }
0xa3: {  	[sflag:s23] =	ssyncset.done $0x0  }
0xa4: {  	s25 =	simm.s32 $0x1B8E;
	s24 =	sld [smem:$0x3FFE];
	[sflag:s23] =	ssyncadd.s32 $0xFFFFFFFF  }
0xa5: {  	s26 =	simm.s32 $execute0_lowered;
	[smem:$0x3FD2] =	sst s25  }
0xa6: {  	s5 =	sshll.u32 s26, $0x1;
	_ =	strace $0x80000046;
	[dreg:$0x1] =	wrdreg $0xFFFFFFFF  }
0xa7: {  	s28 =	simm.s32 $_size_execute0_lowered;
	s3 =	sadd.s32 s3, s5;
	[dreg:$0x0] =	wrdreg $0x0  }
0xa8: {  	s5 =	sshll.u32 s28, $0x1;
	[dreg:$0x2] =	wrdreg s3  }
0xa9: {  	[dreg:$0x3] =	wrdreg s5  }
0xaa: {  	[dreg:$0x4] =	wrdreg $0xC0  }
0xab: {  	_ =	task [dreg:s7], $0x5FFFF  }
0xac: {  	[dreg:$0x1] =	wrdreg $0xFFFFFFFF  }
0xad: {  	[dreg:$0x0] =	wrdreg $0x60  }
0xae: {  	[dreg:$0x2] =	wrdreg s2  }
0xaf: {  	[dreg:$0x3] =	wrdreg s24  }
0xb0: {  	[dreg:$0x4] =	wrdreg $0x9  }
0xb1: {  	_ =	task.clear_ibuf [dreg:s7], $0x5FFFF;
	_ =	strace $0x90000046  }
0xb2: {  	s29 =	simm.s32 $0x9;
	_ =	strace $0x80000048  }
0xb3: {  	_ =	swait.ge [sflag:s29], $0x1  }
0xb4: {  	[sflag:s29] =	ssyncadd.s32 $0xFFFFFFFF  }
0xb5: {  	_ =	strace $0x90000048  }
0xb6: {  	_ =	sfence  }
0xb7: {  	s30 =	sld [smem:$0x0];
	_ =	sdelay $0x2  }
0xb8: {  	s31 =	sshll.u32 s1, $0xD;
	s1 =	sshrl.u32 s1, $0x2  }
0xb9: {  	s3 =	sand.u32 $0x4000, s31;
	s1 =	sadd.s32 s1, s30  }
0xba: {  	s0 =	sor.u32 s3, s0;
	s1 =	sshll.u32 s1, $0x11  }
0xbb: {  	s0 =	sor.u32 s1, s0  }
0xbc: {  	s0 =	sadd.s32 $0x8F2B, s0  }
0xbd: {  	[sflag:s0] =	ssyncadd.remote.s32 $0x1  }
0xbe: {  	_ =	sfence.sel $0xFFFF  }
0xbf: {  	[dreg:$0x0] =	wrdreg $0xFFFFFFFF;
	(pc) =	sbr.abs _section_cstart, $3  }
0xc0: {  	[dreg:$0x1] =	wrdreg $0xFFFFFFFF  }
0xc1: {  	_ =	task.clear_ibuf [dreg:s7], $0x2FFFF;
	_ =	strace $0x9FFFFFFF  }
0xc2: {  	(tm) =	ssettm $0x7FFFFFFF  }
0xc3: {  	_ =	shalt  }
tec
execute0_lowered:
.L_overlay_start_1:
0x0: {  	(tag) =	ssettag $0x1  }
0x1: {  	s3 =	rddreg [dreg:$0x0]  }
0x2: {  	s4 =	rddreg [dreg:$0x1]  }
0x3: {  	s0 =	rddreg [dreg:$0x2]  }
0x4: {  	s1 =	stileid.u32;
	s5 =	srdreg.scid  }
0x5: {  	s2 =	simm.s32 $0x0;
	s10 =	simm.s32 $0x80;
	s11 =	simm.s32 $0x400  }
0x6: {  	s12 =	simm.s32 $0x800;
	s13 =	simm.s32 $0xA00;
	s14 =	simm.s32 $0xC00  }
0x7: {  	s15 =	simm.s32 $0xE00;
	s16 =	simm.s32 $0x1;
	s17 =	simm.s32 $0x2  }
0x8: {  	s18 =	simm.s32 $0x1000;
	s19 =	simm.s32 $0x3;
	s20 =	simm.s32 $0x0  }
0x9: {  	s5 =	sand.u32 $0x1, s5;
	s6 =	sshll.u32 s1, $0x1;
	[smem:$0x7FF] =	sst s2  }
0xa: {  	s7 =	sshll.u32 s1, $0x9;
	s6 =	sor.u32 s5, s6;
	_ =	strace $0x80000047  }
0xb: {  	s7 =	sand.u32 $0x1800, s7;
	s5 =	ssub.s32 $0x2, s5;
	s8 =	sshll.u32 s6, $0x6  }
0xc: {  	s7 =	sadd.s32 s7, s4;
	s31 =	sshll.u32 s6, $0x4;
	s6 =	sshll.u32 s6, $0x10  }
0xd: {  	s9 =	sshrl.u32 s5, $0x1;
	s8 =	sadd.s32 s8, s4;
	s4 =	sand.u32 $0x70, s31  }
0xe: {  	s3 =	sadd.s32 s3, s6;
	s9 =	ssub.s32 s5, s9;
	s4 =	sadd.s32 s4, s7  }
0xf: {  	s5 =	sadd.s32 $0x10, s3;
	s6 =	sadd.s32 $0x8000, s3;
	s7 =	sadd.s32 $0x8010, s3  }
0x10: {  	v0 =	vimm.f32 $1.000000000e+00;
	s8 =	sadd.s32 $0x2600, s8;
	s9 =	smax.u32 s9, $0x1;
	s4 =	sadd.s32 $0x600, s4  }
.LBB2_1:
0x11: {  	[tilespmem:s2], [sflag:$0x1] =	stream.strided.gather [hbm4b:s4+s10], $0x800, s11, s10, $0x38;
	[tilespmem:$0x1200] =	vst v63  }
0x12: {  	_ = 	snop  }
0x13: {  	[tilespmem:s12], [sflag:$0x2] =	stream.strided.gather [hbm4b:s3+s10], $0x200, s11, s10, $0x38;
	[tilespmem:$0x1200] =	vst v63  }
0x14: {  	_ = 	snop  }
0x15: {  	[tilespmem:s13], [sflag:$0x2] =	stream.strided.gather [hbm4b:s5+s10], $0x200, s11, s10, $0x38;
	[tilespmem:$0x1200] =	vst v63  }
0x16: {  	_ = 	snop  }
0x17: {  	[tilespmem:s14], [sflag:$0x2] =	stream.strided.gather [hbm4b:s6+s10], $0x200, s11, s10, $0x38;
	[tilespmem:$0x1200] =	vst v63  }
0x18: {  	_ = 	snop  }
0x19: {  	[tilespmem:s15], [sflag:$0x2] =	stream.strided.gather [hbm4b:s7+s10], $0x200, s11, s10, $0x38;
	[tilespmem:$0x1200] =	vst v63  }
0x1a: {  	_ =	swait.ge [sflag:s16], $0x800  }
0x1b: {  	[sflag:s16] =	ssyncset.done $0x0  }
0x1c: {  	[sflag:s16] =	ssyncadd.s32 $0xFFFFF800  }
0x1d: {  	_ =	swait.ge [sflag:s17], $0x200  }
0x1e: {  	[sflag:s17] =	ssyncset.done $0x0  }
0x1f: {  	[sflag:s17] =	ssyncadd.s32 $0xFFFFFE00  }
0x20: {  	_ =	swait.ge [sflag:s17], $0x200  }
0x21: {  	[sflag:s17] =	ssyncset.done $0x0  }
0x22: {  	[sflag:s17] =	ssyncadd.s32 $0xFFFFFE00  }
0x23: {  	_ =	swait.ge [sflag:s17], $0x200  }
0x24: {  	[sflag:s17] =	ssyncset.done $0x0  }
0x25: {  	[sflag:s17] =	ssyncadd.s32 $0xFFFFFE00  }
0x26: {  	_ =	swait.ge [sflag:s17], $0x200  }
0x27: {  	[sflag:s17] =	ssyncset.done $0x0  }
0x28: {  	s21 =	simm.s32 $0x40;
	[sflag:s17] =	ssyncadd.s32 $0xFFFFFE00  }
0x29: {  	v1 =	vld [tilespmem:s21+$0xFFFFFFC0]  }
0x2a: {  	v2 =	vld [tilespmem:s21+$0x0]  }
0x2b: {  	v3 =	vld [tilespmem:s21+$0xFFFFFFF0]  }
0x2c: {  	v10 =	vld [tilespmem:s21+$0x20]  }
0x2d: {  	v4 =	vld [tilespmem:s21+$0xFFFFFFE0]  }
0x2e: {  	v5 =	vld [tilespmem:s21+$0xFFFFFFD0]  }
0x2f: {  	v8 =	vld [tilespmem:s21+$0x10];
	v7 =	vshrl.u32 v1, $0xC;
	v9 =	vshra.s32 v1, $0x18;
	v1 =	vand.u32 $0xFFF, v1  }
0x30: {  	v13 =	vand.u32 $0xFFF, v3  }
0x31: {  	v22 =	vand.u32 $0xFFF, v10  }
0x32: {  	v6 =	vimm.f32 $0.0e+00;
	v16 =	vld [tilespmem:s21+$0x30];
	v11 =	vand.u32 $0xFFF, v2;
	v15 =	vand.u32 $0xFFF, v4  }
0x33: {  	v12 =	vshrl.u32 v3, $0xC;
	v14 =	vshrl.u32 v4, $0xC;
	v18 =	vand.u32 $0xFFF, v5  }
0x34: {  	v19 =	vshrl.u32 v8, $0xC;
	v20 =	vshra.s32 v8, $0x18;
	v8 =	vand.u32 $0xFFF, v8;
	v1 =	vld.idx.msk [tilespmem:v1+s12+$0x0], $0xffff  }
0x35: {  	v17 =	vshrl.u32 v5, $0xC;
	v5 =	vshra.s32 v5, $0x18;
	v4 =	vshra.s32 v4, $0x18;
	v13 =	vld.idx.msk [tilespmem:v13+s12+$0x0], $0xffff  }
0x36: {  	v21 =	vshrl.u32 v10, $0xC;
	v10 =	vshra.s32 v10, $0x18;
	v7 =	vand.u32 $0xFFF, v7;
	v22 =	vld.idx.msk [tilespmem:v22+s12+$0x0], $0xffff  }
0x37: {  	v23 =	vshrl.u32 v16, $0xC;
	v24 =	vand.u32 $0xFFF, v16;
	v12 =	vand.u32 $0xFFF, v12;
	v15 =	vld.idx.msk [tilespmem:v15+s12+$0x0], $0xffff  }
0x38: {  	v26 =	vshra.s32 v2, $0x18;
	v3 =	vshra.s32 v3, $0x18;
	v14 =	vand.u32 $0xFFF, v14;
	v52 =	vld.idx.msk [tilespmem:v18+s12+$0x0], $0xffff  }
0x39: {  	v2 =	vshrl.u32 v2, $0xC;
	v16 =	vshra.s32 v16, $0x18;
	v17 =	vand.u32 $0xFFF, v17;
	v8 =	vld.idx.msk [tilespmem:v8+s12+$0x0], $0xffff  }
0x3a: {  	v21 =	vand.u32 $0xFFF, v21;
	vm4 =	veq.s32 v4, $0x0;
	v25 =	vcvt.s32.f32 v20;
	v11 =	vld.idx.msk [tilespmem:v11+s12+$0x0], $0xffff  }
0x3b: {  	v29 =	vcvt.s32.f32 v3;
	vm6 =	veq.s32 v3, $0x0;
	v3 =	vand.u32 $0xFFF, v19;
	v7 =	vld.idx.msk [tilespmem:v7+s12+$0x0], $0xffff  }
0x3c: {  	vm0 =	veq.s32 v20, $0x0;
	v27 =	vcvt.s32.f32 v10;
	v2 =	vand.u32 $0xFFF, v2;
	v12 =	vld.idx.msk [tilespmem:v12+s12+$0x0], $0xffff  }
0x3d: {  	v28 =	vcvt.s32.f32 v9;
	vm5 =	veq.s32 v5, $0x0;
	vm2 =	veq.s32 v9, $0x0;
	v9 =	vld.idx.msk [tilespmem:v14+s12+$0x0], $0xffff  }
0x3e: {  	v4 =	vcvt.s32.f32 v4;
	v30 =	vcvt.s32.f32 v26;
	vm1 =	veq.s32 v26, $0x0;
	v17 =	vld.idx.msk [tilespmem:v17+s12+$0x0], $0xffff  }
0x3f: {  	v5 =	vcvt.s32.f32 v5;
	v54 =	vand.u32 $0xFFF, v23;
	v56 =	vcvt.s32.f32 v16;
	v21 =	vld.idx.msk [tilespmem:v21+s12+$0x0], $0xffff  }
0x40: {  	vm3 =	veq.s32 v10, $0x0;
	v46 =	vsel vm4, $0x0, v0;
	v50 =	vsel vm2, $0x0, v0;
	v3 =	vld.idx.msk [tilespmem:v3+s12+$0x0], $0xffff  }
0x41: {  	v48 =	vsel vm1, $0x0, v0;
	v51 =	vsel vm6, $0x0, v0;
	v19 =	vadd.f32 v50, v6;
	v2 =	vld.idx.msk [tilespmem:v2+s12+$0x0], $0xffff  }
0x42: {  	v55 =	vsel vm0, $0x0, v0;
	v1 =	vsub.f32 v7, v1;
	v12 =	vsub.f32 v12, v13  }
0x43: {  	v7 =	vsel vm5, $0x0, v0;
	v9 =	vsub.f32 v9, v15;
	v13 =	vsub.f32 v17, v52  }
0x44: {  	v57 =	vsub.f32 v21, v22;
	v47 =	vmul.f32 v28, v1;
	v1 =	vmul.f32 v1, v1  }
0x45: {  	v3 =	vsub.f32 v3, v8;
	v53 =	vmul.f32 v29, v12;
	v12 =	vmul.f32 v12, v12  }
0x46: {  	v11 =	vsub.f32 v2, v11;
	v4 =	vmul.f32 v4, v9;
	v9 =	vmul.f32 v9, v9  }
0x47: {  	v7 =	vadd.f32 v7, v19;
	v5 =	vmul.f32 v5, v13;
	v8 =	vmul.f32 v27, v57  }
0x48: {  	v60 =	vsel vm3, $0x0, v0;
	v10 =	vmul.f32 v13, v13;
	v59 =	vmul.f32 v25, v3  }
0x49: {  	v3 =	vmul.f32 v3, v3;
	v61 =	vmul.f32 v30, v11;
	v7 =	vadd.f32 v46, v7  }
0x4a: {  	v49 =	vsub.f32 $5.000000000e-01, v47;
	v1 =	vnsel vm2, $0x0, v1;
	v18 =	vsub.f32 $5.000000000e-01, v53  }
0x4b: {  	v12 =	vnsel vm6, $0x0, v12;
	v4 =	vsub.f32 $5.000000000e-01, v4;
	v5 =	vsub.f32 $5.000000000e-01, v5  }
0x4c: {  	v10 =	vnsel vm5, $0x0, v10;
	v9 =	vnsel vm4, $0x0, v9;
	v8 =	vsub.f32 $5.000000000e-01, v8  }
0x4d: {  	v13 =	vsub.f32 $5.000000000e-01, v59;
	v1 =	vadd.f32 v1, v6;
	v14 =	vmax.f32 v49, $0.0e+00  }
0x4e: {  	v7 =	vadd.f32 v51, v7;
	v4 =	vmax.f32 v4, $0.0e+00;
	v14 =	vmul.f32 v14, v14  }
0x4f: {  	v58 =	vmax.f32 v18, $0.0e+00;
	v5 =	vmax.f32 v5, $0.0e+00;
	v4 =	vmul.f32 v4, v4  }
0x50: {  	v2 =	vmul.f32 v5, v5;
	v5 =	vld.idx.msk [tilespmem:v24+s12+$0x0], $0xffff;
	v10 =	vadd.f32 v10, v1;
	v14 =	vsel vm2, $0x0, v14  }
0x51: {  	v1 =	vnsel vm0, $0x0, v3;
	v3 =	vld.idx.msk [tilespmem:v54+s12+$0x0], $0xffff;
	v7 =	vadd.f32 v48, v7;
	v6 =	vadd.f32 v14, v6  }
0x52: {  	vm2 =	veq.s32 v16, $0x0;
	v2 =	vsel vm5, $0x0, v2;
	v16 =	vmul.f32 v58, v58  }
0x53: {  	v62 =	vsub.f32 $5.000000000e-01, v61;
	v4 =	vsel vm4, $0x0, v4;
	v6 =	vadd.f32 v2, v6  }
0x54: {  	v9 =	vadd.f32 v9, v10;
	v63 =	vadd.f32 v55, v7;
	v10 =	vsel vm6, $0x0, v16  }
0x55: {  	v2 =	vmul.f32 v57, v57;
	v4 =	vadd.f32 v4, v6;
	v6 =	vmul.f32 v11, v11  }
0x56: {  	v5 =	vsub.f32 v3, v5;
	v11 =	vmax.f32 v8, $0.0e+00;
	v8 =	vadd.f32 v12, v9  }
0x57: {  	v3 =	vadd.f32 v60, v63;
	v9 =	vmax.f32 v62, $0.0e+00;
	v6 =	vnsel vm1, $0x0, v6  }
0x58: {  	v7 =	vmul.f32 v9, v9;
	v9 =	vmax.f32 v13, $0.0e+00;
	v8 =	vadd.f32 v6, v8  }
0x59: {  	s22 =	simm.s32 $0xC0;
	s21 =	simm.s32 $0x0;
	v4 =	vadd.f32 v10, v4;
	v10 =	vmul.f32 v56, v5;
	v6 =	vmul.f32 v11, v11  }
.LBB2_2:
0x5a: {  	v11 =	vld [tilespmem:s22+$0xFFFFFFC0];
	s21 =	sadd.s32 $0x80, s21;
	v1 =	vadd.f32 v1, v8;
	v2 =	vnsel vm3, $0x0, v2;
	v5 =	vmul.f32 v5, v5  }
0x5b: {  	v7 =	vsel vm1, $0x0, v7;
	v9 =	vmul.f32 v9, v9;
	v8 =	vld [tilespmem:s22+$0x0];
	p0 =	slt.u32 s21, $0x780;
	v10 =	vsub.f32 $5.000000000e-01, v10  }
0x5c: {  	v4 =	vadd.f32 v7, v4;
	v6 =	vsel vm3, $0x0, v6;
	v12 =	vld [tilespmem:s22+$0xFFFFFFF0];
	v5 =	vnsel vm2, $0x0, v5  }
0x5d: {  	v13 =	vsel vm2, $0x0, v0;
	v9 =	vsel vm0, $0x0, v9;
	v7 =	vld [tilespmem:s22+$0xFFFFFFE0];
	v10 =	vmax.f32 v10, $0.0e+00  }
0x5e: {  	v3 =	vadd.f32 v13, v3;
	v4 =	vadd.f32 v9, v4;
	v14 =	vld [tilespmem:s22+$0xFFFFFFD0];
	v9 =	vmul.f32 v10, v10  }
0x5f: {  	v10 =	vshrl.u32 v11, $0xC;
	v13 =	vshra.s32 v11, $0x18;
	v11 =	vand.u32 $0xFFF, v11;
	v15 =	vld [tilespmem:s22+$0x10]  }
0x60: {  	v10 =	vand.u32 $0xFFF, v10;
	v16 =	vand.u32 $0xFFF, v8;
	v9 =	vsel vm2, $0x0, v9  }
0x61: {  	v4 =	vadd.f32 v6, v4;
	v17 =	vshrl.u32 v12, $0xC;
	v18 =	vand.u32 $0xFFF, v12;
	v19 =	vld [tilespmem:s22+$0x20]  }
0x62: {  	v6 =	vshrl.u32 v7, $0xC;
	v20 =	vand.u32 $0xFFF, v7;
	v17 =	vand.u32 $0xFFF, v17;
	v21 =	vld [tilespmem:s22+$0x30]  }
0x63: {  	v1 =	vadd.f32 v2, v1;
	v22 =	vshrl.u32 v14, $0xC;
	v23 =	vand.u32 $0xFFF, v14  }
0x64: {  	v4 =	vadd.f32 v9, v4;
	v2 =	vld.idx.msk [tilespmem:v11+s12+$0x0], $0xffff;
	v11 =	vshra.s32 v14, $0x18;
	v14 =	vand.u32 $0xFFF, v22  }
0x65: {  	v1 =	vadd.f32 v5, v1;
	v7 =	vshra.s32 v7, $0x18;
	v9 =	vld.idx.msk [tilespmem:v16+s12+$0x0], $0xffff;
	v16 =	vshrl.u32 v15, $0xC  }
0x66: {  	v5 =	vld.idx.msk [tilespmem:v10+s12+$0x0], $0xffff;
	v10 =	vshra.s32 v15, $0x18;
	v22 =	vshrl.u32 v19, $0xC;
	v24 =	vand.u32 $0xFFF, v19  }
0x67: {  	v15 =	vand.u32 $0xFFF, v15;
	v19 =	vshra.s32 v19, $0x18;
	v18 =	vld.idx.msk [tilespmem:v18+s12+$0x0], $0xffff;
	v22 =	vand.u32 $0xFFF, v22  }
0x68: {  	v6 =	vand.u32 $0xFFF, v6;
	v25 =	vshrl.u32 v21, $0xC;
	v26 =	vand.u32 $0xFFF, v21  }
0x69: {  	vm4 =	veq.s32 v7, $0x0;
	v27 =	vcvt.s32.f32 v10;
	vm0 =	veq.s32 v10, $0x0  }
0x6a: {  	v28 =	vshra.s32 v8, $0x18;
	v10 =	vsel vm4, $0x0, v0;
	v29 =	vcvt.s32.f32 v19  }
0x6b: {  	v30 =	vcvt.s32.f32 v13;
	v7 =	vcvt.s32.f32 v7;
	vm5 =	veq.s32 v11, $0x0;
	v24 =	vld.idx.msk [tilespmem:v24+s12+$0x0], $0xffff  }
0x6c: {  	v12 =	vshra.s32 v12, $0x18;
	v2 =	vsub.f32 v5, v2;
	v5 =	vsel vm5, $0x0, v0;
	v17 =	vld.idx.msk [tilespmem:v17+s12+$0x0], $0xffff  }
0x6d: {  	v32 =	vcvt.s32.f32 v28;
	vm1 =	veq.s32 v28, $0x0;
	v31 =	vcvt.s32.f32 v12;
	v26 =	vld.idx.msk [tilespmem:v26+s12+$0x0], $0xffff  }
0x6e: {  	v28 =	vmul.f32 v30, v2;
	v2 =	vmul.f32 v2, v2;
	v30 =	vsel vm1, $0x0, v0;
	v20 =	vld.idx.msk [tilespmem:v20+s12+$0x0], $0xffff  }
0x6f: {  	vm2 =	veq.s32 v13, $0x0;
	vm6 =	veq.s32 v12, $0x0;
	v12 =	vand.u32 $0xFFF, v16;
	v6 =	vld.idx.msk [tilespmem:v6+s12+$0x0], $0xffff  }
0x70: {  	v16 =	vsel vm2, $0x0, v0;
	v13 =	vsub.f32 $5.000000000e-01, v28;
	v2 =	vnsel vm2, $0x0, v2;
	v14 =	vld.idx.msk [tilespmem:v14+s12+$0x0], $0xffff  }
0x71: {  	v11 =	vcvt.s32.f32 v11;
	v3 =	vadd.f32 v16, v3;
	v16 =	vsel vm6, $0x0, v0;
	v22 =	vld.idx.msk [tilespmem:v22+s12+$0x0], $0xffff  }
0x72: {  	v8 =	vshrl.u32 v8, $0xC;
	v13 =	vmax.f32 v13, $0.0e+00;
	v17 =	vsub.f32 v17, v18;
	v23 =	vld.idx.msk [tilespmem:v23+s12+$0x0], $0xffff  }
0x73: {  	v1 =	vadd.f32 v2, v1;
	v2 =	vand.u32 $0xFFF, v8;
	v13 =	vmul.f32 v13, v13;
	v8 =	vld.idx.msk [tilespmem:v15+s12+$0x0], $0xffff  }
0x74: {  	v3 =	vadd.f32 v5, v3;
	v5 =	vmul.f32 v31, v17;
	v15 =	vand.u32 $0xFFF, v25;
	v12 =	vld.idx.msk [tilespmem:v12+s12+$0x0], $0xffff  }
0x75: {  	v18 =	vsel vm0, $0x0, v0;
	v6 =	vsub.f32 v6, v20;
	v20 =	vshra.s32 v21, $0x18  }
0x76: {  	v17 =	vmul.f32 v17, v17;
	v5 =	vsub.f32 $5.000000000e-01, v5;
	v21 =	vcvt.s32.f32 v20  }
0x77: {  	v13 =	vsel vm2, $0x0, v13;
	vm2 =	veq.s32 v20, $0x0;
	v7 =	vmul.f32 v7, v6  }
0x78: {  	v4 =	vadd.f32 v13, v4;
	v13 =	vsub.f32 v14, v23;
	v14 =	vnsel vm6, $0x0, v17;
	v2 =	vld.idx.msk [tilespmem:v2+s12+$0x0], $0xffff  }
0x79: {  	v6 =	vmul.f32 v6, v6;
	v17 =	vsub.f32 v22, v24;
	v7 =	vsub.f32 $5.000000000e-01, v7  }
0x7a: {  	vm3 =	veq.s32 v19, $0x0;
	v5 =	vmax.f32 v5, $0.0e+00;
	v8 =	vsub.f32 v12, v8  }
0x7b: {  	v11 =	vmul.f32 v11, v13;
	v12 =	vmul.f32 v29, v17;
	v7 =	vmax.f32 v7, $0.0e+00  }
0x7c: {  	v20 =	vsel vm3, $0x0, v0;
	v13 =	vmul.f32 v13, v13;
	v19 =	vmul.f32 v27, v8  }
0x7d: {  	v11 =	vsub.f32 $5.000000000e-01, v11;
	v7 =	vmul.f32 v7, v7;
	v8 =	vmul.f32 v8, v8  }
0x7e: {  	v6 =	vnsel vm4, $0x0, v6;
	v13 =	vnsel vm5, $0x0, v13;
	v12 =	vsub.f32 $5.000000000e-01, v12  }
0x7f: {  	v3 =	vadd.f32 v10, v3;
	v11 =	vmax.f32 v11, $0.0e+00;
	v9 =	vsub.f32 v2, v9  }
0x80: {  	v7 =	vsel vm4, $0x0, v7;
	v10 =	vsub.f32 $5.000000000e-01, v19;
	v2 =	vmul.f32 v11, v11  }
0x81: {  	v11 =	vadd.f32 v13, v1;
	v1 =	vnsel vm0, $0x0, v8;
	v13 =	vmul.f32 v32, v9;
	v8 =	vld.idx.msk [tilespmem:v15+s12+$0x0], $0xffff  }
0x82: {  	v3 =	vadd.f32 v16, v3;
	v5 =	vmul.f32 v5, v5;
	v2 =	vsel vm5, $0x0, v2  }
0x83: {  	v6 =	vadd.f32 v6, v11;
	v4 =	vadd.f32 v2, v4;
	v2 =	vmul.f32 v17, v17  }
0x84: {  	v3 =	vadd.f32 v30, v3;
	v5 =	vsel vm6, $0x0, v5;
	v11 =	vsub.f32 $5.000000000e-01, v13  }
.Ltmp0:
0x85: {  	v12 =	vmax.f32 v12, $0.0e+00;
	v4 =	vadd.f32 v7, v4;
	v7 =	vmul.f32 v9, v9;
	(pc) =	sbr.rel @p0 .LBB2_2-.Ltmp0, $4  }
0x86: {  	v3 =	vadd.f32 v18, v3;
	v6 =	vadd.f32 v14, v6;
	v9 =	vmax.f32 v11, $0.0e+00  }
0x87: {  	v4 =	vadd.f32 v5, v4;
	v11 =	vnsel vm1, $0x0, v7;
	v5 =	vsub.f32 v8, v26  }
0x88: {  	v3 =	vadd.f32 v20, v3;
	v7 =	vmul.f32 v9, v9;
	v8 =	vadd.f32 v11, v6  }
0x89: {  	s22 =	sadd.s32 $0x80, s22;
	v9 =	vmax.f32 v10, $0.0e+00;
	v6 =	vmul.f32 v12, v12;
	v10 =	vmul.f32 v21, v5  }
0x8a: {  	v7 =	vsel vm1, $0x0, v7;
	v9 =	vmul.f32 v9, v9;
	v1 =	vadd.f32 v1, v8  }
0x8b: {  	v10 =	vsub.f32 $5.000000000e-01, v10;
	v4 =	vadd.f32 v7, v4  }
0x8c: {  	v2 =	vnsel vm3, $0x0, v2;
	v5 =	vmul.f32 v5, v5;
	v59 =	vsel vm0, $0x0, v9  }
0x8d: {  	v1 =	vadd.f32 v2, v1;
	v60 =	vmax.f32 v10, $0.0e+00;
	v4 =	vadd.f32 v59, v4  }
0x8e: {  	v6 =	vsel vm3, $0x0, v6;
	v2 =	vnsel vm2, $0x0, v5;
	v61 =	vmul.f32 v60, v60  }
0x8f: {  	v63 =	vsel vm2, $0x0, v0;
	v1 =	vadd.f32 v2, v1;
	v4 =	vadd.f32 v6, v4  }
0x90: {  	v2 =	vadd.f32 v63, v3;
	v62 =	vsel vm2, $0x0, v61  }
0x91: {  	s20 =	sadd.s32 $0x1, s20;
	[tilespmem:$0x1080] =	vst v1;
	v4 =	vadd.f32 v62, v4  }
0x92: {  	p0 =	sne.s32 s20, s9;
	[tilespmem:$0x1100] =	vst v2  }
.Ltmp1:
0x93: {  	[tilespmem:$0x1000] =	vst v4;
	(pc) =	sbr.rel @p0 .LBB2_1-.Ltmp1, $4  }
0x94: {  	[hbm4b:s8+s2] =	stream.linear.scatter [tilespmem:s18], [sflag:$0x3], $0x180, $0x38;
	[tilespmem:$0x1200] =	vst v63  }
0x95: {  	_ =	swait.ge [sflag:s19], $0x180  }
0x96: {  	[sflag:s19] =	ssyncset.done $0x0  }
0x97: {  	[sflag:s19] =	ssyncadd.s32 $0xFFFFFE80  }
0x98: {  	_ =	sfence.sel $0x180000  }
0x99: {  	[bflag:$0x0] =	sbarrier.arrive $0xFFFF  }
0x9a: {  	p0 =	sne.s32 s1, $0x0;
	_ =	strace $0x90000047  }
0x9b: {  	s0 =	sadd.s32 @!p0 $0x100000, s0;
	[bflag:$0x2] =	sbarrier.arrive $0xFFFF  }
0x9c: {  	[sflag:s0] =	ssyncadd.tile.s32 @!p0 $0x1;
	_ =	shalt  }
.Lfunc_end2:
_tile_overlayer_lowered:
.L_overlay_start_2:
0x9d: {  	(tag) =	ssettag $0x2  }
0x9e: {  	s0 =	rddreg [dreg:$0x0];
	s2 =	stileid.u32  }
0x9f: {  	s1 =	rddreg [dreg:$0x1];
	p0 =	sne.s32 s2, $0x0  }
0xa0: {  	s3 =	rddreg [dreg:$0x2];
	[bflag:$0x3] =	sbarrier.arrive $0xFFFF;
	s2 =	simm.s32 @!p0 $0x1C03  }
0xa1: {  	[timem:s3], [sflag:s2] =	dma.local @!p0 [hbm:s0], s1  }
0xa2: {  	s0 =	simm.s32 @!p0 $0x3  }
0xa3: {  	_ =	swait.ge @!p0 [sflag:s0], s1  }
0xa4: {  	s1 =	ssub.s32 @!p0 $0x0, s1;
	[sflag:s0] =	ssyncset.done @!p0 $0x0  }
0xa5: {  	[sflag:s0] =	ssyncadd.s32 @!p0 s1  }
0xa6: {  	[bflag:$0x3] =	sbarrier.arrive $0xFFFF  }
0xa7: {  	_ =	shalt  }

</sc_bundles>
